<compile_context>
chip_gen: v7x
topology: tpu7x:2x2x1
jax: 0.10.2.dev20260603
libtpu: 0.0.44.dev20260713+nightly
codegen_flags: <defaults>
</compile_context>

<pallas_src>
import functools

import jax
import jax.numpy as jnp
from jax import lax
from jax.experimental import pallas as pl
from jax.experimental.pallas import tpu as pltpu
from jax.experimental.pallas import tpu_sc as plsc

N = 1024
D = 128
H = 64
H2 = 32
K = 8
ED = 16

RB = 128
CB = 128

NEG_DIAG = -1e30
NEG_TAKEN = -3e38

_SC_CORES = 2
_SC_SUBCORES = 16
_SC_WORKERS = _SC_CORES * _SC_SUBCORES



NCH = N // CB
PF = 4


def _sim_topk_body(xb_ref, xf_ref, w1s_ref, b1s_ref, w1e_ref, b1e_ref,
                   w2_ref, b2_ref, w3_ref, b3_ref,
                   ts_ref, ti_ref, ae_ref, be_ref, h2s_ref, b_ref):
    i = pl.program_id(0)

    @pl.when(i == 0)
    def _():
        xf = xf_ref[...]
        b_ref[...] = jnp.dot(xf, w1s_ref[D:, :],
                             preferred_element_type=jnp.float32)
        ae_ref[...] = jnp.dot(xf, w1e_ref[:D, :],
                              preferred_element_type=jnp.float32) + b1e_ref[...]
        be_ref[...] = jnp.dot(xf, w1e_ref[D:, :],
                              preferred_element_type=jnp.float32)

    a = jnp.dot(xb_ref[...], w1s_ref[:D, :],
                preferred_element_type=jnp.float32) + b1s_ref[...]
    a2 = jnp.concatenate([a] * PF, axis=1)
    w2 = w2_ref[...]
    w2big = jnp.concatenate(
        [jnp.concatenate([w2] * PF, axis=0)] * PF, axis=1)
    w2d = jnp.where(
        lax.broadcasted_iota(jnp.int32, (PF * H, PF * H2), 0) // H
        == lax.broadcasted_iota(jnp.int32, (PF * H, PF * H2), 1) // H2,
        w2big, 0.0)
    b2t = jnp.concatenate([b2_ref[...]] * PF, axis=1)
    w3rep = jnp.concatenate([w3_ref[...]] * NCH, axis=0)
    w3x = jnp.where(
        lax.broadcasted_iota(jnp.int32, (NCH * H2, NCH), 0) // H2
        == lax.broadcasted_iota(jnp.int32, (NCH * H2, NCH), 1),
        jnp.broadcast_to(w3rep, (NCH * H2, NCH)), 0.0)
    b3 = b3_ref[...]
    for j in range(NCH // PF):
        b2blk = jnp.concatenate(
            [b_ref[pl.ds((PF * j + c) * CB, CB), :] for c in range(PF)],
            axis=1)
        h1 = jnp.maximum(a2[:, None, :] + b2blk[None, :, :], 0.0)
        h1 = h1.reshape(RB * CB, PF * H)
        h2s_ref[:, j * PF * H2:(j + 1) * PF * H2] = jnp.maximum(
            jnp.dot(h1, w2d, preferred_element_type=jnp.float32) + b2t, 0.0)
    logits = jnp.dot(h2s_ref[...], w3x,
                     preferred_element_type=jnp.float32) + b3
    lt = jnp.swapaxes(logits.reshape(RB, CB, NCH), 1, 2)
    srow = lt.reshape(RB, N)
    row_g = lax.broadcasted_iota(jnp.int32, (RB, N), 0) + i * RB
    col_g = lax.broadcasted_iota(jnp.int32, (RB, N), 1)
    srow = jnp.where(row_g == col_g, NEG_DIAG, srow)
    colio = lax.broadcasted_iota(jnp.int32, (RB, N), 1)
    vals, idxs = [], []
    for _ in range(K):
        m = jnp.max(srow, axis=1, keepdims=True)
        idx = jnp.min(jnp.where(srow == m, colio, N), axis=1, keepdims=True)
        vals.append(m)
        idxs.append(idx)
        srow = jnp.where(colio == idx, NEG_TAKEN, srow)
    ts_ref[...] = jax.nn.sigmoid(jnp.concatenate(vals, axis=1))
    ti_ref[...] = jnp.concatenate(idxs, axis=1)


def _sim_topk(x, w1s, b1s, w1e, b1e, w2, b2, w3, b3):
    fixed = lambda shape: pl.BlockSpec(shape, lambda i: (0,) * len(shape))
    return pl.pallas_call(
        _sim_topk_body,
        grid=(N // RB,),
        in_specs=[pl.BlockSpec((RB, D), lambda i: (i, 0)),
                  fixed((N, D)), fixed((2 * D, H)), fixed((1, H)),
                  fixed((2 * D, H)), fixed((1, H)),
                  fixed((H, H2)), fixed((1, H2)),
                  fixed((H2, 1)), fixed((1, 1))],
        out_specs=[pl.BlockSpec((RB, K), lambda i: (i, 0)),
                   pl.BlockSpec((RB, K), lambda i: (i, 0)),
                   fixed((N, H)), fixed((N, H))],
        out_shape=[jax.ShapeDtypeStruct((N, K), jnp.float32),
                   jax.ShapeDtypeStruct((N, K), jnp.int32),
                   jax.ShapeDtypeStruct((N, H), jnp.float32),
                   jax.ShapeDtypeStruct((N, H), jnp.float32)],
        scratch_shapes=[pltpu.VMEM((RB * CB, NCH * H2), jnp.float32),
                        pltpu.VMEM((N, H), jnp.float32)],
        compiler_params=pltpu.CompilerParams(
            dimension_semantics=("arbitrary",)),
    )(x, x, w1s, b1s, w1e, b1e, w2, b2, w3, b3)



_GB = (N * K) // _SC_WORKERS


def _sc_gather_body(table_hbm, idx_hbm, out_hbm, idx_v, rows_v, sem):
    wid = lax.axis_index("s") * _SC_CORES + lax.axis_index("c")
    base = wid * _GB
    pltpu.sync_copy(idx_hbm.at[pl.ds(base, _GB)], idx_v)
    pltpu.async_copy(table_hbm.at[idx_v], rows_v, sem).wait()
    pltpu.sync_copy(rows_v, out_hbm.at[pl.ds(base, _GB)])


_sc_gather_fn = None


def _sc_gather(table, idx):
    global _sc_gather_fn
    if _sc_gather_fn is None:
        _sc_gather_fn = pl.kernel(
            _sc_gather_body,
            out_type=jax.ShapeDtypeStruct((N * K, H), jnp.float32),
            mesh=plsc.VectorSubcoreMesh(core_axis_name="c",
                                        subcore_axis_name="s"),
            scratch_types=[pltpu.VMEM((_GB,), jnp.int32),
                           pltpu.VMEM((_GB, H), jnp.float32),
                           pltpu.SemaphoreType.DMA],
            compiler_params=pltpu.CompilerParams(
                use_tc_tiling_on_sc=False),
        )
    return _sc_gather_fn(table, idx)



def _edge_body(ae_ref, beg_ref, w2e_ref, b2e_ref, ts_ref, out_ref):
    ae = ae_ref[...]
    ae_rep = jnp.broadcast_to(ae[:, None, :], (N, K, H)).reshape(N * K, H)
    he = jnp.maximum(ae_rep + beg_ref[...], 0.0)
    ef = jnp.dot(he, w2e_ref[...],
                 preferred_element_type=jnp.float32) + b2e_ref[...]
    ts = ts_ref[...]
    out_ref[:, 0:1] = ts
    out_ref[:, 1:1 + ED] = jnp.where(ts >= 0.5, ef, 0.0)


def _edge(ae, beg, w2e, b2e, ts):
    full = lambda shape: pl.BlockSpec(shape, lambda: (0,) * len(shape))
    return pl.pallas_call(
        _edge_body,
        grid=(),
        in_specs=[full((N, H)), full((N * K, H)), full((H, ED)),
                  full((1, ED)), full((N * K, 1))],
        out_specs=full((N * K, 1 + ED)),
        out_shape=jax.ShapeDtypeStruct((N * K, 1 + ED), jnp.float32),
    )(ae, beg, w2e, b2e, ts)



def kernel(node_features, edge_index, edge_features,
           W1s, b1s, W2s, b2s, W3s, b3s, W1e, b1e, W2e, b2e):
    del edge_index, edge_features
    ts, ti, ae, be = _sim_topk(node_features, W1s, b1s.reshape(1, H),
                               W1e, b1e.reshape(1, H), W2s,
                               b2s.reshape(1, H2), W3s, b3s.reshape(1, 1))
    beg = _sc_gather(be, ti.reshape(-1))
    return _edge(ae, beg, W2e, b2e.reshape(1, ED), ts.reshape(N * K, 1))

# --- scband reference (transcript-rebuilt; emitter-appended) ---
"""Pipeline reference for scband-edge-addition-layer-82162724372846 (READ-ONLY COPY).

The authoritative reference and input builder live on the scoring server;
editing this copy changes nothing except your own understanding.
"""

import jax, jax.numpy as jnp
import numpy as np

N = 1024
D = 128
H = 64
K = 8
ED = 16
E = 16384
THRESH = 0.5


def setup_inputs(seed: int = 0) -> dict:
    key = jax.random.key(seed)
    ks = jax.random.split(key, 16)
    inp = {}
    inp["node_features"] = jax.random.normal(ks[0], (N, D), dtype=jnp.float32)
    inp["edge_index"] = jax.random.randint(ks[1], (2, E), 0, N, dtype=jnp.int32)
    inp["edge_features"] = jax.random.normal(ks[2], (E, ED), dtype=jnp.float32)
    # similarity MLP params (torch Linear: y = x @ W + b, W stored [in, out])
    s1 = 1.0 / np.sqrt(2 * D)
    inp["W1s"] = jax.random.uniform(ks[3], (2 * D, H), jnp.float32, -s1, s1)
    inp["b1s"] = jax.random.uniform(ks[4], (H,), jnp.float32, -s1, s1)
    s2 = 1.0 / np.sqrt(H)
    inp["W2s"] = jax.random.uniform(ks[5], (H, H // 2), jnp.float32, -s2, s2)
    inp["b2s"] = jax.random.uniform(ks[6], (H // 2,), jnp.float32, -s2, s2)
    s3 = 1.0 / np.sqrt(H // 2)
    inp["W3s"] = jax.random.uniform(ks[7], (H // 2, 1), jnp.float32, -s3, s3)
    inp["b3s"] = jax.random.uniform(ks[8], (1,), jnp.float32, -s3, s3)
    # edge feature MLP params
    inp["W1e"] = jax.random.uniform(ks[9], (2 * D, H), jnp.float32, -s1, s1)
    inp["b1e"] = jax.random.uniform(ks[10], (H,), jnp.float32, -s1, s1)
    inp["W2e"] = jax.random.uniform(ks[11], (H, ED), jnp.float32, -s2, s2)
    inp["b2e"] = jax.random.uniform(ks[12], (ED,), jnp.float32, -s2, s2)
    return inp


def reference(node_features, edge_index, edge_features,
              W1s, b1s, W2s, b2s, W3s, b3s, W1e, b1e, W2e, b2e):
    n = node_features.shape[0]
    # Directional all-pairs similarity. fc1(concat(src, tgt)) decomposes as
    # src @ W1s[:D] + tgt @ W1s[D:], letting us avoid materializing [N*N, 2D].
    A = node_features @ W1s[:D]          # [N, H] source half
    B = node_features @ W1s[D:]          # [N, H] target half
    h1 = jax.nn.relu(A[:, None, :] + B[None, :, :] + b1s)   # [N, N, H]
    h2 = jax.nn.relu(h1 @ W2s + b2s)                         # [N, N, H//2]
    sim = jax.nn.sigmoid((h2 @ W3s + b3s)[..., 0])           # [N, N]
    # mask self-similarity like similarities[src_idx] = -1
    diag = jnp.arange(n)
    sim = sim.at[diag, diag].set(-1.0)
    # per-source top-k neighbors
    topk_sim, topk_idx = jax.lax.top_k(sim, K)               # [N, K]
    src_idx = jnp.repeat(jnp.arange(n), K)                   # [N*K]
    tgt_idx = topk_idx.reshape(-1)                           # [N*K]
    # edge features for candidate edges
    c = jnp.concatenate([node_features[src_idx], node_features[tgt_idx]], axis=1)
    he = jax.nn.relu(c @ W1e + b1e)
    ef = he @ W2e + b2e                                      # [N*K, ED]
    # threshold gating (fixed-shape analogue of similarity >= threshold filter)
    keep = (topk_sim.reshape(-1) >= THRESH).astype(ef.dtype)
    ef = ef * keep[:, None]
    out = jnp.concatenate([topk_sim.reshape(-1, 1), ef], axis=1)  # [N*K, 1+ED]
    return out

if __name__ == "__main__":
    import jax
    _d = setup_inputs()
    print(jax.jit(kernel)(*tuple(_d.values())))

</pallas_src>

<mosaic_0001>
#map = affine_map<(d0, d1) -> (0, 0)>
#map1 = affine_map<(d0, d1) -> (0)>
module attributes {stable_mosaic.version = 14 : i64} {
  func.func @_sc_gather_body(%arg0: i32, %arg1: i32, %arg2: memref<1024x64xf32, #tpu.memory_space<hbm>>, %arg3: memref<8192xi32, #tpu.memory_space<hbm>>, %arg4: memref<8192x64xf32, #tpu.memory_space<hbm>>, %arg5: memref<256xi32, #tpu.memory_space<vmem>>, %arg6: memref<256x64xf32, #tpu.memory_space<vmem>>, %arg7: memref<!tpu.dma_semaphore, #tpu.memory_space<semaphore_mem>>) attributes {dimension_semantics = [#tpu.dimension_semantics<core_parallel>, #tpu.dimension_semantics<subcore_parallel>], iteration_bounds = array<i64: 2, 16>, scalar_prefetch = 0 : i64, scratch_operands = 3 : i64, tpu.core_type = #tpu.core_type<sc_vector_subcore>, window_params = [{transform_indices = #map}, {transform_indices = #map1}, {transform_indices = #map}]} {
    %mul3A = arith.constant 2 : i32
    %mul3A_0 = arith.muli %arg1, %mul3A : i32
    %add3A = arith.addi %mul3A_0, %arg0 : i32
    %mul3A_1 = arith.constant 256 : i32
    %mul3A_2 = arith.muli %add3A, %mul3A_1 : i32
    "tpu.region"() ({
      %run_scoped3A = tpu.sem_alloc : memref<!tpu.dma_semaphore, #tpu.memory_space<semaphore_mem>>
      %dma_start3A_7 = tpu.memref_slice %arg3[%mul3A_2] : memref<8192xi32, #tpu.memory_space<hbm>> -> memref<256xi32, #tpu.memory_space<hbm>>
      %dma_start3A_8 = tpu.memref_slice %arg3[%mul3A_2] : memref<8192xi32, #tpu.memory_space<hbm>> -> memref<256xi32, #tpu.memory_space<hbm>>
      tpu.enqueue_dma source(%dma_start3A_8 : memref<256xi32, #tpu.memory_space<hbm>>) target(%arg5 : memref<256xi32, #tpu.memory_space<vmem>>) target_semaphore(%run_scoped3A : memref<!tpu.dma_semaphore, #tpu.memory_space<semaphore_mem>>)
      %dma_wait3A_9 = tpu.memref_slice %arg3[%mul3A_2] : memref<8192xi32, #tpu.memory_space<hbm>> -> memref<256xi32, #tpu.memory_space<hbm>>
      %dma_wait3A_10 = tpu.memref_slice %arg3[%mul3A_2] : memref<8192xi32, #tpu.memory_space<hbm>> -> memref<256xi32, #tpu.memory_space<hbm>>
      tpu.wait_dma2 semaphore(%run_scoped3A : memref<!tpu.dma_semaphore, #tpu.memory_space<semaphore_mem>>) src(%dma_wait3A_10 : memref<256xi32, #tpu.memory_space<hbm>>) dst(%arg5 : memref<256xi32, #tpu.memory_space<vmem>>)
      tpu.yield
    }) : () -> ()
    %dma_start3A = arith.constant 0 : i32
    %dma_start3A_3 = arith.constant 0 : i32
    %dma_start3A_4 = tpu.memref_slice %arg2[%dma_start3A, %dma_start3A_3] : memref<1024x64xf32, #tpu.memory_space<hbm>> -> memref<1024x64xf32, #tpu.memory_space<hbm>>
    tpu.enqueue_indirect_dma source(%dma_start3A_4 : memref<1024x64xf32, #tpu.memory_space<hbm>>) target(%arg6 : memref<256x64xf32, #tpu.memory_space<vmem>>) offsets(%arg5 : memref<256xi32, #tpu.memory_space<vmem>>) semaphore(%arg7 : memref<!tpu.dma_semaphore, #tpu.memory_space<semaphore_mem>>)
    %dma_wait3A = arith.constant 0 : i32
    %dma_wait3A_5 = arith.constant 0 : i32
    %dma_wait3A_6 = tpu.memref_slice %arg2[%dma_wait3A, %dma_wait3A_5] : memref<1024x64xf32, #tpu.memory_space<hbm>> -> memref<1024x64xf32, #tpu.memory_space<hbm>>
    tpu.wait_indirect_dma semaphore(%arg7 : memref<!tpu.dma_semaphore, #tpu.memory_space<semaphore_mem>>) src(%dma_wait3A_6 : memref<1024x64xf32, #tpu.memory_space<hbm>>) dst(%arg6 : memref<256x64xf32, #tpu.memory_space<vmem>>)
    "tpu.region"() ({
      %run_scoped3A = tpu.sem_alloc : memref<!tpu.dma_semaphore, #tpu.memory_space<semaphore_mem>>
      %dma_start3A_7 = arith.constant 0 : i32
      %dma_start3A_8 = tpu.memref_slice %arg4[%mul3A_2, %dma_start3A_7] : memref<8192x64xf32, #tpu.memory_space<hbm>> -> memref<256x64xf32, #tpu.memory_space<hbm>>
      %dma_start3A_9 = arith.constant 0 : i32
      %dma_start3A_10 = tpu.memref_slice %arg4[%mul3A_2, %dma_start3A_9] : memref<8192x64xf32, #tpu.memory_space<hbm>> -> memref<256x64xf32, #tpu.memory_space<hbm>>
      tpu.enqueue_dma source(%arg6 : memref<256x64xf32, #tpu.memory_space<vmem>>) target(%dma_start3A_10 : memref<256x64xf32, #tpu.memory_space<hbm>>) target_semaphore(%run_scoped3A : memref<!tpu.dma_semaphore, #tpu.memory_space<semaphore_mem>>)
      %dma_wait3A_11 = arith.constant 0 : i32
      %dma_wait3A_12 = tpu.memref_slice %arg4[%mul3A_2, %dma_wait3A_11] : memref<8192x64xf32, #tpu.memory_space<hbm>> -> memref<256x64xf32, #tpu.memory_space<hbm>>
      %dma_wait3A_13 = arith.constant 0 : i32
      %dma_wait3A_14 = tpu.memref_slice %arg4[%mul3A_2, %dma_wait3A_13] : memref<8192x64xf32, #tpu.memory_space<hbm>> -> memref<256x64xf32, #tpu.memory_space<hbm>>
      tpu.wait_dma2 semaphore(%run_scoped3A : memref<!tpu.dma_semaphore, #tpu.memory_space<semaphore_mem>>) src(%arg6 : memref<256x64xf32, #tpu.memory_space<vmem>>) dst(%dma_wait3A_14 : memref<256x64xf32, #tpu.memory_space<hbm>>)
      tpu.yield
    }) : () -> ()
    return
  }
}

module attributes {stable_mosaic.version = 14 : i64} {
  func.func @_sim_topk_body(%arg0: i32, %arg1: memref<128x128xf32, #tpu.memory_space<vmem>>, %arg2: memref<1024x128xf32, #tpu.memory_space<vmem>>, %arg3: memref<256x64xf32, #tpu.memory_space<vmem>>, %arg4: memref<1x64xf32, #tpu.memory_space<vmem>>, %arg5: memref<256x64xf32, #tpu.memory_space<vmem>>, %arg6: memref<1x64xf32, #tpu.memory_space<vmem>>, %arg7: memref<64x32xf32, #tpu.memory_space<vmem>>, %arg8: memref<1x32xf32, #tpu.memory_space<vmem>>, %arg9: memref<32x1xf32, #tpu.memory_space<vmem>>, %arg10: memref<1x1xf32, #tpu.memory_space<vmem>>, %arg11: memref<128x8xf32, #tpu.memory_space<vmem>>, %arg12: memref<128x8xi32, #tpu.memory_space<vmem>>, %arg13: memref<1024x64xf32, #tpu.memory_space<vmem>>, %arg14: memref<1024x64xf32, #tpu.memory_space<vmem>>, %arg15: memref<16384x256xf32, #tpu.memory_space<vmem>>, %arg16: memref<1024x64xf32, #tpu.memory_space<vmem>>) attributes {dimension_semantics = [#tpu.dimension_semantics<arbitrary>], iteration_bounds = array<i64: 8>, scalar_prefetch = 0 : i64, scratch_operands = 2 : i64, tpu.core_type = #tpu.core_type<tc>, window_params = [{transform_indices = @transform_0, window_bounds = array<i64: 128, 128>}, {pipeline_mode = #tpu.pipeline_mode<synchronous>, transform_indices = @transform_1, window_bounds = array<i64: 1024, 128>}, {pipeline_mode = #tpu.pipeline_mode<synchronous>, transform_indices = @transform_2, window_bounds = array<i64: 256, 64>}, {pipeline_mode = #tpu.pipeline_mode<synchronous>, transform_indices = @transform_3, window_bounds = array<i64: 1, 64>}, {pipeline_mode = #tpu.pipeline_mode<synchronous>, transform_indices = @transform_4, window_bounds = array<i64: 256, 64>}, {pipeline_mode = #tpu.pipeline_mode<synchronous>, transform_indices = @transform_5, window_bounds = array<i64: 1, 64>}, {pipeline_mode = #tpu.pipeline_mode<synchronous>, transform_indices = @transform_6, window_bounds = array<i64: 64, 32>}, {pipeline_mode = #tpu.pipeline_mode<synchronous>, transform_indices = @transform_7, window_bounds = array<i64: 1, 32>}, {pipeline_mode = #tpu.pipeline_mode<synchronous>, transform_indices = @transform_8, window_bounds = array<i64: 32, 1>}, {pipeline_mode = #tpu.pipeline_mode<synchronous>, transform_indices = @transform_9, window_bounds = array<i64: 1, 1>}, {transform_indices = @transform_10, window_bounds = array<i64: 128, 8>}, {transform_indices = @transform_11, window_bounds = array<i64: 128, 8>}, {pipeline_mode = #tpu.pipeline_mode<synchronous>, transform_indices = @transform_12, window_bounds = array<i64: 1024, 64>}, {pipeline_mode = #tpu.pipeline_mode<synchronous>, transform_indices = @transform_13, window_bounds = array<i64: 1024, 64>}]} {
    %eq3A = arith.constant 0 : i32
    %eq3A_0 = arith.cmpi eq, %arg0, %eq3A : i32
    %convert_element_type3A = arith.extui %eq3A_0 : i1 to i32
    %cond3A = arith.constant 0 : i32
    %cond3A_1 = arith.cmpi ne, %convert_element_type3A, %cond3A : i32
    scf.if %cond3A_1 {
      %get3A_339 = arith.constant 0 : index
      %get3A_340 = arith.constant 0 : index
      %get3A_341 = vector.load %arg2[%get3A_339, %get3A_340] : memref<1024x128xf32, #tpu.memory_space<vmem>>, vector<1024x128xf32>
      %get3A_342 = arith.constant 128 : index
      %get3A_343 = arith.constant 0 : index
      %get3A_344 = vector.load %arg3[%get3A_342, %get3A_343] : memref<256x64xf32, #tpu.memory_space<vmem>>, vector<128x64xf32>
      %dot_general3A_345 = arith.constant dense<0.000000e+00> : vector<1024x64xf32>
      %dot_general3A_346 = tpu.matmul %get3A_341, %get3A_344, %dot_general3A_345 {dimension_numbers = #tpu.dot_dimension_numbers<[1], [0], [0], [1], [0, 0, 1, 1], [], []>, transpose_lhs_hint = false} : vector<1024x128xf32>, vector<128x64xf32>, vector<1024x64xf32> -> vector<1024x64xf32>
      %swap3A_347 = arith.constant 0 : index
      %swap3A_348 = arith.constant 0 : index
      %swap3A_349 = vector.load %arg16[%swap3A_347, %swap3A_348] : memref<1024x64xf32, #tpu.memory_space<vmem>>, vector<1024x64xf32>
      tpu.vector_store %arg16[%swap3A_347, %swap3A_348], %dot_general3A_346 {strides = array<i32>} : memref<1024x64xf32, #tpu.memory_space<vmem>>, vector<1024x64xf32>,
      %get3A_350 = arith.constant 0 : index
      %get3A_351 = arith.constant 0 : index
      %get3A_352 = vector.load %arg5[%get3A_350, %get3A_351] : memref<256x64xf32, #tpu.memory_space<vmem>>, vector<128x64xf32>
      %dot_general3A_353 = arith.constant dense<0.000000e+00> : vector<1024x64xf32>
      %dot_general3A_354 = tpu.matmul %get3A_341, %get3A_352, %dot_general3A_353 {dimension_numbers = #tpu.dot_dimension_numbers<[1], [0], [0], [1], [0, 0, 1, 1], [], []>, transpose_lhs_hint = false} : vector<1024x128xf32>, vector<128x64xf32>, vector<1024x64xf32> -> vector<1024x64xf32>
      %get3A_355 = arith.constant 0 : index
      %get3A_356 = arith.constant 0 : index
      %get3A_357 = vector.load %arg6[%get3A_355, %get3A_356] : memref<1x64xf32, #tpu.memory_space<vmem>>, vector<1x64xf32>
      %add3A_358 = vector.broadcast %get3A_357 : vector<1x64xf32> to vector<1024x64xf32>
      %add3A_359 = arith.addf %dot_general3A_354, %add3A_358 : vector<1024x64xf32>
      %swap3A_360 = arith.constant 0 : index
      %swap3A_361 = arith.constant 0 : index
      %swap3A_362 = vector.load %arg13[%swap3A_360, %swap3A_361] : memref<1024x64xf32, #tpu.memory_space<vmem>>, vector<1024x64xf32>
      tpu.vector_store %arg13[%swap3A_360, %swap3A_361], %add3A_359 {strides = array<i32>} : memref<1024x64xf32, #tpu.memory_space<vmem>>, vector<1024x64xf32>,
      %get3A_363 = arith.constant 128 : index
      %get3A_364 = arith.constant 0 : index
      %get3A_365 = vector.load %arg5[%get3A_363, %get3A_364] : memref<256x64xf32, #tpu.memory_space<vmem>>, vector<128x64xf32>
      %dot_general3A_366 = arith.constant dense<0.000000e+00> : vector<1024x64xf32>
      %dot_general3A_367 = tpu.matmul %get3A_341, %get3A_365, %dot_general3A_366 {dimension_numbers = #tpu.dot_dimension_numbers<[1], [0], [0], [1], [0, 0, 1, 1], [], []>, transpose_lhs_hint = false} : vector<1024x128xf32>, vector<128x64xf32>, vector<1024x64xf32> -> vector<1024x64xf32>
      %swap3A_368 = arith.constant 0 : index
      %swap3A_369 = arith.constant 0 : index
      %swap3A_370 = vector.load %arg14[%swap3A_368, %swap3A_369] : memref<1024x64xf32, #tpu.memory_space<vmem>>, vector<1024x64xf32>
      tpu.vector_store %arg14[%swap3A_368, %swap3A_369], %dot_general3A_367 {strides = array<i32>} : memref<1024x64xf32, #tpu.memory_space<vmem>>, vector<1024x64xf32>,
    } else {
    }
    %get3A = arith.constant 0 : index
    %get3A_2 = arith.constant 0 : index
    %get3A_3 = vector.load %arg1[%get3A, %get3A_2] : memref<128x128xf32, #tpu.memory_space<vmem>>, vector<128x128xf32>
    %get3A_4 = arith.constant 0 : index
    %get3A_5 = arith.constant 0 : index
    %get3A_6 = vector.load %arg3[%get3A_4, %get3A_5] : memref<256x64xf32, #tpu.memory_space<vmem>>, vector<128x64xf32>
    %dot_general3A = arith.constant dense<0.000000e+00> : vector<128x64xf32>
    %dot_general3A_7 = tpu.matmul %get3A_3, %get3A_6, %dot_general3A {dimension_numbers = #tpu.dot_dimension_numbers<[1], [0], [0], [1], [0, 0, 1, 1], [], []>, transpose_lhs_hint = false} : vector<128x128xf32>, vector<128x64xf32>, vector<128x64xf32> -> vector<128x64xf32>
    %get3A_8 = arith.constant 0 : index
    %get3A_9 = arith.constant 0 : index
    %get3A_10 = vector.load %arg4[%get3A_8, %get3A_9] : memref<1x64xf32, #tpu.memory_space<vmem>>, vector<1x64xf32>
    %add3A = vector.broadcast %get3A_10 : vector<1x64xf32> to vector<128x64xf32>
    %add3A_11 = arith.addf %dot_general3A_7, %add3A : vector<128x64xf32>
    %concatenate3A = tpu.concatenate %add3A_11, %add3A_11, %add3A_11, %add3A_11 in 1 : vector<128x64xf32>, vector<128x64xf32>, vector<128x64xf32>, vector<128x64xf32> -> vector<128x256xf32>
    %get3A_12 = arith.constant 0 : index
    %get3A_13 = arith.constant 0 : index
    %get3A_14 = vector.load %arg7[%get3A_12, %get3A_13] : memref<64x32xf32, #tpu.memory_space<vmem>>, vector<64x32xf32>
    %concatenate3A_15 = tpu.concatenate %get3A_14, %get3A_14, %get3A_14, %get3A_14 in 0 : vector<64x32xf32>, vector<64x32xf32>, vector<64x32xf32>, vector<64x32xf32> -> vector<256x32xf32>
    %concatenate3A_16 = tpu.concatenate %concatenate3A_15, %concatenate3A_15, %concatenate3A_15, %concatenate3A_15 in 1 : vector<256x32xf32>, vector<256x32xf32>, vector<256x32xf32>, vector<256x32xf32> -> vector<256x128xf32>
    %iota3A = tpu.iota {dimensions = array<i32: 0>} : vector<256x128xi32>
    %jit3A = arith.constant 64 : i32
    %div3A = vector.broadcast %jit3A : i32 to vector<256x128xi32>
    %div3A_17 = arith.divsi %iota3A, %div3A : vector<256x128xi32>
    %sign3A = arith.constant 0 : i32
    %sign3A_18 = vector.broadcast %sign3A : i32 to vector<256x128xi32>
    %sign3A_19 = arith.cmpi sgt, %iota3A, %sign3A_18 : vector<256x128xi32>
    %sign3A_20 = arith.extui %sign3A_19 : vector<256x128xi1> to vector<256x128xi32>
    %sign3A_21 = arith.constant 0 : i32
    %sign3A_22 = vector.broadcast %sign3A_21 : i32 to vector<256x128xi32>
    %sign3A_23 = arith.cmpi slt, %iota3A, %sign3A_22 : vector<256x128xi32>
    %sign3A_24 = arith.extui %sign3A_23 : vector<256x128xi1> to vector<256x128xi32>
    %sign3A_25 = arith.subi %sign3A_20, %sign3A_24 : vector<256x128xi32>
    %sign3A_26 = arith.constant 0 : i32
    %sign3A_27 = arith.cmpi sgt, %jit3A, %sign3A_26 : i32
    %sign3A_28 = arith.extui %sign3A_27 : i1 to i32
    %sign3A_29 = arith.constant 0 : i32
    %sign3A_30 = arith.cmpi slt, %jit3A, %sign3A_29 : i32
    %sign3A_31 = arith.extui %sign3A_30 : i1 to i32
    %sign3A_32 = arith.subi %sign3A_28, %sign3A_31 : i32
    %ne3A = vector.broadcast %sign3A_32 : i32 to vector<256x128xi32>
    %ne3A_33 = arith.cmpi ne, %sign3A_25, %ne3A : vector<256x128xi32>
    %rem3A = vector.broadcast %jit3A : i32 to vector<256x128xi32>
    %rem3A_34 = arith.remsi %iota3A, %rem3A : vector<256x128xi32>
    %ne3A_35 = arith.constant 0 : i32
    %ne3A_36 = vector.broadcast %ne3A_35 : i32 to vector<256x128xi32>
    %ne3A_37 = arith.cmpi ne, %rem3A_34, %ne3A_36 : vector<256x128xi32>
    %and3A = arith.andi %ne3A_33, %ne3A_37 : vector<256x128xi1>
    %sub3A = arith.constant 1 : i32
    %sub3A_38 = vector.broadcast %sub3A : i32 to vector<256x128xi32>
    %sub3A_39 = arith.subi %div3A_17, %sub3A_38 : vector<256x128xi32>
    %select_n3A = arith.select %and3A, %sub3A_39, %div3A_17 : vector<256x128xi1>, vector<256x128xi32>
    %iota3A_40 = tpu.iota {dimensions = array<i32: 1>} : vector<256x128xi32>
    %jit3A_41 = arith.constant 32 : i32
    %div3A_42 = vector.broadcast %jit3A_41 : i32 to vector<256x128xi32>
    %div3A_43 = arith.divsi %iota3A_40, %div3A_42 : vector<256x128xi32>
    %sign3A_44 = arith.constant 0 : i32
    %sign3A_45 = vector.broadcast %sign3A_44 : i32 to vector<256x128xi32>
    %sign3A_46 = arith.cmpi sgt, %iota3A_40, %sign3A_45 : vector<256x128xi32>
    %sign3A_47 = arith.extui %sign3A_46 : vector<256x128xi1> to vector<256x128xi32>
    %sign3A_48 = arith.constant 0 : i32
    %sign3A_49 = vector.broadcast %sign3A_48 : i32 to vector<256x128xi32>
    %sign3A_50 = arith.cmpi slt, %iota3A_40, %sign3A_49 : vector<256x128xi32>
    %sign3A_51 = arith.extui %sign3A_50 : vector<256x128xi1> to vector<256x128xi32>
    %sign3A_52 = arith.subi %sign3A_47, %sign3A_51 : vector<256x128xi32>
    %sign3A_53 = arith.constant 0 : i32
    %sign3A_54 = arith.cmpi sgt, %jit3A_41, %sign3A_53 : i32
    %sign3A_55 = arith.extui %sign3A_54 : i1 to i32
    %sign3A_56 = arith.constant 0 : i32
    %sign3A_57 = arith.cmpi slt, %jit3A_41, %sign3A_56 : i32
    %sign3A_58 = arith.extui %sign3A_57 : i1 to i32
    %sign3A_59 = arith.subi %sign3A_55, %sign3A_58 : i32
    %ne3A_60 = vector.broadcast %sign3A_59 : i32 to vector<256x128xi32>
    %ne3A_61 = arith.cmpi ne, %sign3A_52, %ne3A_60 : vector<256x128xi32>
    %rem3A_62 = vector.broadcast %jit3A_41 : i32 to vector<256x128xi32>
    %rem3A_63 = arith.remsi %iota3A_40, %rem3A_62 : vector<256x128xi32>
    %ne3A_64 = arith.constant 0 : i32
    %ne3A_65 = vector.broadcast %ne3A_64 : i32 to vector<256x128xi32>
    %ne3A_66 = arith.cmpi ne, %rem3A_63, %ne3A_65 : vector<256x128xi32>
    %and3A_67 = arith.andi %ne3A_61, %ne3A_66 : vector<256x128xi1>
    %sub3A_68 = arith.constant 1 : i32
    %sub3A_69 = vector.broadcast %sub3A_68 : i32 to vector<256x128xi32>
    %sub3A_70 = arith.subi %div3A_43, %sub3A_69 : vector<256x128xi32>
    %select_n3A_71 = arith.select %and3A_67, %sub3A_70, %div3A_43 : vector<256x128xi1>, vector<256x128xi32>
    %eq3A_72 = arith.cmpi eq, %select_n3A, %select_n3A_71 : vector<256x128xi32>
    %jit3A_73 = arith.constant 0.000000e+00 : f32
    %broadcast_in_dim3A = vector.broadcast %jit3A_73 : f32 to vector<256x128xf32>
    %select_n3A_74 = arith.select %eq3A_72, %concatenate3A_16, %broadcast_in_dim3A : vector<256x128xi1>, vector<256x128xf32>
    %get3A_75 = arith.constant 0 : index
    %get3A_76 = arith.constant 0 : index
    %get3A_77 = vector.load %arg8[%get3A_75, %get3A_76] : memref<1x32xf32, #tpu.memory_space<vmem>>, vector<1x32xf32>
    %concatenate3A_78 = tpu.concatenate %get3A_77, %get3A_77, %get3A_77, %get3A_77 in 1 : vector<1x32xf32>, vector<1x32xf32>, vector<1x32xf32>, vector<1x32xf32> -> vector<1x128xf32>
    %get3A_79 = arith.constant 0 : index
    %get3A_80 = arith.constant 0 : index
    %get3A_81 = vector.load %arg9[%get3A_79, %get3A_80] : memref<32x1xf32, #tpu.memory_space<vmem>>, vector<32x1xf32>
    %concatenate3A_82 = tpu.concatenate %get3A_81, %get3A_81, %get3A_81, %get3A_81, %get3A_81, %get3A_81, %get3A_81, %get3A_81 in 0 : vector<32x1xf32>, vector<32x1xf32>, vector<32x1xf32>, vector<32x1xf32>, vector<32x1xf32>, vector<32x1xf32>, vector<32x1xf32>, vector<32x1xf32> -> vector<256x1xf32>
    %iota3A_83 = tpu.iota {dimensions = array<i32: 0>} : vector<256x8xi32>
    %jit3A_84 = arith.constant 32 : i32
    %div3A_85 = vector.broadcast %jit3A_84 : i32 to vector<256x8xi32>
    %div3A_86 = arith.divsi %iota3A_83, %div3A_85 : vector<256x8xi32>
    %sign3A_87 = arith.constant 0 : i32
    %sign3A_88 = vector.broadcast %sign3A_87 : i32 to vector<256x8xi32>
    %sign3A_89 = arith.cmpi sgt, %iota3A_83, %sign3A_88 : vector<256x8xi32>
    %sign3A_90 = arith.extui %sign3A_89 : vector<256x8xi1> to vector<256x8xi32>
    %sign3A_91 = arith.constant 0 : i32
    %sign3A_92 = vector.broadcast %sign3A_91 : i32 to vector<256x8xi32>
    %sign3A_93 = arith.cmpi slt, %iota3A_83, %sign3A_92 : vector<256x8xi32>
    %sign3A_94 = arith.extui %sign3A_93 : vector<256x8xi1> to vector<256x8xi32>
    %sign3A_95 = arith.subi %sign3A_90, %sign3A_94 : vector<256x8xi32>
    %sign3A_96 = arith.constant 0 : i32
    %sign3A_97 = arith.cmpi sgt, %jit3A_84, %sign3A_96 : i32
    %sign3A_98 = arith.extui %sign3A_97 : i1 to i32
    %sign3A_99 = arith.constant 0 : i32
    %sign3A_100 = arith.cmpi slt, %jit3A_84, %sign3A_99 : i32
    %sign3A_101 = arith.extui %sign3A_100 : i1 to i32
    %sign3A_102 = arith.subi %sign3A_98, %sign3A_101 : i32
    %ne3A_103 = vector.broadcast %sign3A_102 : i32 to vector<256x8xi32>
    %ne3A_104 = arith.cmpi ne, %sign3A_95, %ne3A_103 : vector<256x8xi32>
    %rem3A_105 = vector.broadcast %jit3A_84 : i32 to vector<256x8xi32>
    %rem3A_106 = arith.remsi %iota3A_83, %rem3A_105 : vector<256x8xi32>
    %ne3A_107 = arith.constant 0 : i32
    %ne3A_108 = vector.broadcast %ne3A_107 : i32 to vector<256x8xi32>
    %ne3A_109 = arith.cmpi ne, %rem3A_106, %ne3A_108 : vector<256x8xi32>
    %and3A_110 = arith.andi %ne3A_104, %ne3A_109 : vector<256x8xi1>
    %sub3A_111 = arith.constant 1 : i32
    %sub3A_112 = vector.broadcast %sub3A_111 : i32 to vector<256x8xi32>
    %sub3A_113 = arith.subi %div3A_86, %sub3A_112 : vector<256x8xi32>
    %select_n3A_114 = arith.select %and3A_110, %sub3A_113, %div3A_86 : vector<256x8xi1>, vector<256x8xi32>
    %iota3A_115 = tpu.iota {dimensions = array<i32: 1>} : vector<256x8xi32>
    %eq3A_116 = arith.cmpi eq, %select_n3A_114, %iota3A_115 : vector<256x8xi32>
    %broadcast_in_dim3A_117 = vector.shape_cast %concatenate3A_82 : vector<256x1xf32> to vector<256x1xf32>
    %broadcast_in_dim3A_118 = vector.broadcast %broadcast_in_dim3A_117 : vector<256x1xf32> to vector<256x8xf32>
    %jit3A_119 = arith.constant 0.000000e+00 : f32
    %broadcast_in_dim3A_120 = vector.broadcast %jit3A_119 : f32 to vector<256x8xf32>
    %select_n3A_121 = arith.select %eq3A_116, %broadcast_in_dim3A_118, %broadcast_in_dim3A_120 : vector<256x8xi1>, vector<256x8xf32>
    %get3A_122 = arith.constant 0 : index
    %get3A_123 = arith.constant 0 : index
    %get3A_124 = vector.load %arg10[%get3A_122, %get3A_123] : memref<1x1xf32, #tpu.memory_space<vmem>>, vector<1x1xf32>
    %get3A_125 = arith.constant 0 : index
    %get3A_126 = arith.constant 0 : index
    %get3A_127 = vector.load %arg16[%get3A_125, %get3A_126] : memref<1024x64xf32, #tpu.memory_space<vmem>>, vector<128x64xf32>
    %get3A_128 = arith.constant 128 : index
    %get3A_129 = arith.constant 0 : index
    %get3A_130 = vector.load %arg16[%get3A_128, %get3A_129] : memref<1024x64xf32, #tpu.memory_space<vmem>>, vector<128x64xf32>
    %get3A_131 = arith.constant 256 : index
    %get3A_132 = arith.constant 0 : index
    %get3A_133 = vector.load %arg16[%get3A_131, %get3A_132] : memref<1024x64xf32, #tpu.memory_space<vmem>>, vector<128x64xf32>
    %get3A_134 = arith.constant 384 : index
    %get3A_135 = arith.constant 0 : index
    %get3A_136 = vector.load %arg16[%get3A_134, %get3A_135] : memref<1024x64xf32, #tpu.memory_space<vmem>>, vector<128x64xf32>
    %concatenate3A_137 = tpu.concatenate %get3A_127, %get3A_130, %get3A_133, %get3A_136 in 1 : vector<128x64xf32>, vector<128x64xf32>, vector<128x64xf32>, vector<128x64xf32> -> vector<128x256xf32>
    %broadcast_in_dim3A_138 = vector.shape_cast %concatenate3A : vector<128x256xf32> to vector<128x1x256xf32>
    %broadcast_in_dim3A_139 = vector.shape_cast %concatenate3A_137 : vector<128x256xf32> to vector<1x128x256xf32>
    %add3A_140 = vector.broadcast %broadcast_in_dim3A_138 : vector<128x1x256xf32> to vector<128x128x256xf32>
    %add3A_141 = vector.broadcast %broadcast_in_dim3A_139 : vector<1x128x256xf32> to vector<128x128x256xf32>
    %add3A_142 = arith.addf %add3A_140, %add3A_141 : vector<128x128x256xf32>
    %max3A = arith.constant 0.000000e+00 : f32
    %max3A_143 = vector.broadcast %max3A : f32 to vector<128x128x256xf32>
    %max3A_144 = arith.maximumf %add3A_142, %max3A_143 : vector<128x128x256xf32>
    %reshape3A = vector.shape_cast %max3A_144 : vector<128x128x256xf32> to vector<16384x256xf32>
    %dot_general3A_145 = arith.constant dense<0.000000e+00> : vector<16384x128xf32>
    %dot_general3A_146 = tpu.matmul %reshape3A, %select_n3A_74, %dot_general3A_145 {dimension_numbers = #tpu.dot_dimension_numbers<[1], [0], [0], [1], [0, 0, 1, 1], [], []>, transpose_lhs_hint = false} : vector<16384x256xf32>, vector<256x128xf32>, vector<16384x128xf32> -> vector<16384x128xf32>
    %add3A_147 = vector.broadcast %concatenate3A_78 : vector<1x128xf32> to vector<16384x128xf32>
    %add3A_148 = arith.addf %dot_general3A_146, %add3A_147 : vector<16384x128xf32>
    %max3A_149 = arith.constant 0.000000e+00 : f32
    %max3A_150 = vector.broadcast %max3A_149 : f32 to vector<16384x128xf32>
    %max3A_151 = arith.maximumf %add3A_148, %max3A_150 : vector<16384x128xf32>
    %swap3A = arith.constant 0 : index
    %swap3A_152 = arith.constant 0 : index
    %swap3A_153 = vector.load %arg15[%swap3A, %swap3A_152] : memref<16384x256xf32, #tpu.memory_space<vmem>>, vector<16384x128xf32>
    tpu.vector_store %arg15[%swap3A, %swap3A_152], %max3A_151 {strides = array<i32>} : memref<16384x256xf32, #tpu.memory_space<vmem>>, vector<16384x128xf32>,
    %get3A_154 = arith.constant 512 : index
    %get3A_155 = arith.constant 0 : index
    %get3A_156 = vector.load %arg16[%get3A_154, %get3A_155] : memref<1024x64xf32, #tpu.memory_space<vmem>>, vector<128x64xf32>
    %get3A_157 = arith.constant 640 : index
    %get3A_158 = arith.constant 0 : index
    %get3A_159 = vector.load %arg16[%get3A_157, %get3A_158] : memref<1024x64xf32, #tpu.memory_space<vmem>>, vector<128x64xf32>
    %get3A_160 = arith.constant 768 : index
    %get3A_161 = arith.constant 0 : index
    %get3A_162 = vector.load %arg16[%get3A_160, %get3A_161] : memref<1024x64xf32, #tpu.memory_space<vmem>>, vector<128x64xf32>
    %get3A_163 = arith.constant 896 : index
    %get3A_164 = arith.constant 0 : index
    %get3A_165 = vector.load %arg16[%get3A_163, %get3A_164] : memref<1024x64xf32, #tpu.memory_space<vmem>>, vector<128x64xf32>
    %concatenate3A_166 = tpu.concatenate %get3A_156, %get3A_159, %get3A_162, %get3A_165 in 1 : vector<128x64xf32>, vector<128x64xf32>, vector<128x64xf32>, vector<128x64xf32> -> vector<128x256xf32>
    %broadcast_in_dim3A_167 = vector.shape_cast %concatenate3A : vector<128x256xf32> to vector<128x1x256xf32>
    %broadcast_in_dim3A_168 = vector.shape_cast %concatenate3A_166 : vector<128x256xf32> to vector<1x128x256xf32>
    %add3A_169 = vector.broadcast %broadcast_in_dim3A_167 : vector<128x1x256xf32> to vector<128x128x256xf32>
    %add3A_170 = vector.broadcast %broadcast_in_dim3A_168 : vector<1x128x256xf32> to vector<128x128x256xf32>
    %add3A_171 = arith.addf %add3A_169, %add3A_170 : vector<128x128x256xf32>
    %max3A_172 = arith.constant 0.000000e+00 : f32
    %max3A_173 = vector.broadcast %max3A_172 : f32 to vector<128x128x256xf32>
    %max3A_174 = arith.maximumf %add3A_171, %max3A_173 : vector<128x128x256xf32>
    %reshape3A_175 = vector.shape_cast %max3A_174 : vector<128x128x256xf32> to vector<16384x256xf32>
    %dot_general3A_176 = arith.constant dense<0.000000e+00> : vector<16384x128xf32>
    %dot_general3A_177 = tpu.matmul %reshape3A_175, %select_n3A_74, %dot_general3A_176 {dimension_numbers = #tpu.dot_dimension_numbers<[1], [0], [0], [1], [0, 0, 1, 1], [], []>, transpose_lhs_hint = false} : vector<16384x256xf32>, vector<256x128xf32>, vector<16384x128xf32> -> vector<16384x128xf32>
    %add3A_178 = vector.broadcast %concatenate3A_78 : vector<1x128xf32> to vector<16384x128xf32>
    %add3A_179 = arith.addf %dot_general3A_177, %add3A_178 : vector<16384x128xf32>
    %max3A_180 = arith.constant 0.000000e+00 : f32
    %max3A_181 = vector.broadcast %max3A_180 : f32 to vector<16384x128xf32>
    %max3A_182 = arith.maximumf %add3A_179, %max3A_181 : vector<16384x128xf32>
    %swap3A_183 = arith.constant 0 : index
    %swap3A_184 = arith.constant 128 : index
    %swap3A_185 = vector.load %arg15[%swap3A_183, %swap3A_184] : memref<16384x256xf32, #tpu.memory_space<vmem>>, vector<16384x128xf32>
    tpu.vector_store %arg15[%swap3A_183, %swap3A_184], %max3A_182 {strides = array<i32>} : memref<16384x256xf32, #tpu.memory_space<vmem>>, vector<16384x128xf32>,
    %get3A_186 = arith.constant 0 : index
    %get3A_187 = arith.constant 0 : index
    %get3A_188 = vector.load %arg15[%get3A_186, %get3A_187] : memref<16384x256xf32, #tpu.memory_space<vmem>>, vector<16384x256xf32>
    %dot_general3A_189 = arith.constant dense<0.000000e+00> : vector<16384x8xf32>
    %dot_general3A_190 = tpu.matmul %get3A_188, %select_n3A_121, %dot_general3A_189 {dimension_numbers = #tpu.dot_dimension_numbers<[1], [0], [0], [1], [0, 0, 1, 1], [], []>, transpose_lhs_hint = false} : vector<16384x256xf32>, vector<256x8xf32>, vector<16384x8xf32> -> vector<16384x8xf32>
    %add3A_191 = vector.broadcast %get3A_124 : vector<1x1xf32> to vector<16384x8xf32>
    %add3A_192 = arith.addf %dot_general3A_190, %add3A_191 : vector<16384x8xf32>
    %reshape3A_193 = vector.shape_cast %add3A_192 : vector<16384x8xf32> to vector<128x128x8xf32>
    %transpose3A = tpu.transpose %reshape3A_193, [0, 2, 1] : vector<128x128x8xf32> -> vector<128x8x128xf32>
    %reshape3A_194 = vector.shape_cast %transpose3A : vector<128x8x128xf32> to vector<128x1024xf32>
    %iota3A_195 = tpu.iota {dimensions = array<i32: 0>} : vector<128x1024xi32>
    %mul3A = arith.constant 128 : i32
    %mul3A_196 = arith.muli %arg0, %mul3A : i32
    %add3A_197 = vector.broadcast %mul3A_196 : i32 to vector<128x1024xi32>
    %add3A_198 = arith.addi %iota3A_195, %add3A_197 : vector<128x1024xi32>
    %iota3A_199 = tpu.iota {dimensions = array<i32: 1>} : vector<128x1024xi32>
    %eq3A_200 = arith.cmpi eq, %add3A_198, %iota3A_199 : vector<128x1024xi32>
    %jit3A_201 = arith.constant -1.000000e+30 : f32
    %broadcast_in_dim3A_202 = vector.broadcast %jit3A_201 : f32 to vector<128x1024xf32>
    %select_n3A_203 = arith.select %eq3A_200, %broadcast_in_dim3A_202, %reshape3A_194 : vector<128x1024xi1>, vector<128x1024xf32>
    %iota3A_204 = tpu.iota {dimensions = array<i32: 1>} : vector<128x1024xi32>
    %reduce_max3A = arith.constant dense<0xFF800000> : vector<128xf32>
    %reduce_max3A_205 = vector.multi_reduction <maximumf>, %select_n3A_203, %reduce_max3A [1] : vector<128x1024xf32> to vector<128xf32>
    %broadcast_in_dim3A_206 = vector.shape_cast %reduce_max3A_205 : vector<128xf32> to vector<128x1xf32>
    %eq3A_207 = vector.broadcast %broadcast_in_dim3A_206 : vector<128x1xf32> to vector<128x1024xf32>
    %eq3A_208 = arith.cmpf oeq, %select_n3A_203, %eq3A_207 : vector<128x1024xf32>
    %jit3A_209 = arith.constant 1024 : i32
    %broadcast_in_dim3A_210 = vector.broadcast %jit3A_209 : i32 to vector<128x1024xi32>
    %select_n3A_211 = arith.select %eq3A_208, %iota3A_204, %broadcast_in_dim3A_210 : vector<128x1024xi1>, vector<128x1024xi32>
    %reduce_min3A = arith.constant dense<2147483647> : vector<128xi32>
    %reduce_min3A_212 = vector.multi_reduction <minsi>, %select_n3A_211, %reduce_min3A [1] : vector<128x1024xi32> to vector<128xi32>
    %broadcast_in_dim3A_213 = vector.shape_cast %reduce_min3A_212 : vector<128xi32> to vector<128x1xi32>
    %eq3A_214 = vector.broadcast %broadcast_in_dim3A_213 : vector<128x1xi32> to vector<128x1024xi32>
    %eq3A_215 = arith.cmpi eq, %iota3A_204, %eq3A_214 : vector<128x1024xi32>
    %jit3A_216 = arith.constant -3.000000e+38 : f32
    %broadcast_in_dim3A_217 = vector.broadcast %jit3A_216 : f32 to vector<128x1024xf32>
    %select_n3A_218 = arith.select %eq3A_215, %broadcast_in_dim3A_217, %select_n3A_203 : vector<128x1024xi1>, vector<128x1024xf32>
    %reduce_max3A_219 = arith.constant dense<0xFF800000> : vector<128xf32>
    %reduce_max3A_220 = vector.multi_reduction <maximumf>, %select_n3A_218, %reduce_max3A_219 [1] : vector<128x1024xf32> to vector<128xf32>
    %broadcast_in_dim3A_221 = vector.shape_cast %reduce_max3A_220 : vector<128xf32> to vector<128x1xf32>
    %eq3A_222 = vector.broadcast %broadcast_in_dim3A_221 : vector<128x1xf32> to vector<128x1024xf32>
    %eq3A_223 = arith.cmpf oeq, %select_n3A_218, %eq3A_222 : vector<128x1024xf32>
    %jit3A_224 = arith.constant 1024 : i32
    %broadcast_in_dim3A_225 = vector.broadcast %jit3A_224 : i32 to vector<128x1024xi32>
    %select_n3A_226 = arith.select %eq3A_223, %iota3A_204, %broadcast_in_dim3A_225 : vector<128x1024xi1>, vector<128x1024xi32>
    %reduce_min3A_227 = arith.constant dense<2147483647> : vector<128xi32>
    %reduce_min3A_228 = vector.multi_reduction <minsi>, %select_n3A_226, %reduce_min3A_227 [1] : vector<128x1024xi32> to vector<128xi32>
    %broadcast_in_dim3A_229 = vector.shape_cast %reduce_min3A_228 : vector<128xi32> to vector<128x1xi32>
    %eq3A_230 = vector.broadcast %broadcast_in_dim3A_229 : vector<128x1xi32> to vector<128x1024xi32>
    %eq3A_231 = arith.cmpi eq, %iota3A_204, %eq3A_230 : vector<128x1024xi32>
    %jit3A_232 = arith.constant -3.000000e+38 : f32
    %broadcast_in_dim3A_233 = vector.broadcast %jit3A_232 : f32 to vector<128x1024xf32>
    %select_n3A_234 = arith.select %eq3A_231, %broadcast_in_dim3A_233, %select_n3A_218 : vector<128x1024xi1>, vector<128x1024xf32>
    %reduce_max3A_235 = arith.constant dense<0xFF800000> : vector<128xf32>
    %reduce_max3A_236 = vector.multi_reduction <maximumf>, %select_n3A_234, %reduce_max3A_235 [1] : vector<128x1024xf32> to vector<128xf32>
    %broadcast_in_dim3A_237 = vector.shape_cast %reduce_max3A_236 : vector<128xf32> to vector<128x1xf32>
    %eq3A_238 = vector.broadcast %broadcast_in_dim3A_237 : vector<128x1xf32> to vector<128x1024xf32>
    %eq3A_239 = arith.cmpf oeq, %select_n3A_234, %eq3A_238 : vector<128x1024xf32>
    %jit3A_240 = arith.constant 1024 : i32
    %broadcast_in_dim3A_241 = vector.broadcast %jit3A_240 : i32 to vector<128x1024xi32>
    %select_n3A_242 = arith.select %eq3A_239, %iota3A_204, %broadcast_in_dim3A_241 : vector<128x1024xi1>, vector<128x1024xi32>
    %reduce_min3A_243 = arith.constant dense<2147483647> : vector<128xi32>
    %reduce_min3A_244 = vector.multi_reduction <minsi>, %select_n3A_242, %reduce_min3A_243 [1] : vector<128x1024xi32> to vector<128xi32>
    %broadcast_in_dim3A_245 = vector.shape_cast %reduce_min3A_244 : vector<128xi32> to vector<128x1xi32>
    %eq3A_246 = vector.broadcast %broadcast_in_dim3A_245 : vector<128x1xi32> to vector<128x1024xi32>
    %eq3A_247 = arith.cmpi eq, %iota3A_204, %eq3A_246 : vector<128x1024xi32>
    %jit3A_248 = arith.constant -3.000000e+38 : f32
    %broadcast_in_dim3A_249 = vector.broadcast %jit3A_248 : f32 to vector<128x1024xf32>
    %select_n3A_250 = arith.select %eq3A_247, %broadcast_in_dim3A_249, %select_n3A_234 : vector<128x1024xi1>, vector<128x1024xf32>
    %reduce_max3A_251 = arith.constant dense<0xFF800000> : vector<128xf32>
    %reduce_max3A_252 = vector.multi_reduction <maximumf>, %select_n3A_250, %reduce_max3A_251 [1] : vector<128x1024xf32> to vector<128xf32>
    %broadcast_in_dim3A_253 = vector.shape_cast %reduce_max3A_252 : vector<128xf32> to vector<128x1xf32>
    %eq3A_254 = vector.broadcast %broadcast_in_dim3A_253 : vector<128x1xf32> to vector<128x1024xf32>
    %eq3A_255 = arith.cmpf oeq, %select_n3A_250, %eq3A_254 : vector<128x1024xf32>
    %jit3A_256 = arith.constant 1024 : i32
    %broadcast_in_dim3A_257 = vector.broadcast %jit3A_256 : i32 to vector<128x1024xi32>
    %select_n3A_258 = arith.select %eq3A_255, %iota3A_204, %broadcast_in_dim3A_257 : vector<128x1024xi1>, vector<128x1024xi32>
    %reduce_min3A_259 = arith.constant dense<2147483647> : vector<128xi32>
    %reduce_min3A_260 = vector.multi_reduction <minsi>, %select_n3A_258, %reduce_min3A_259 [1] : vector<128x1024xi32> to vector<128xi32>
    %broadcast_in_dim3A_261 = vector.shape_cast %reduce_min3A_260 : vector<128xi32> to vector<128x1xi32>
    %eq3A_262 = vector.broadcast %broadcast_in_dim3A_261 : vector<128x1xi32> to vector<128x1024xi32>
    %eq3A_263 = arith.cmpi eq, %iota3A_204, %eq3A_262 : vector<128x1024xi32>
    %jit3A_264 = arith.constant -3.000000e+38 : f32
    %broadcast_in_dim3A_265 = vector.broadcast %jit3A_264 : f32 to vector<128x1024xf32>
    %select_n3A_266 = arith.select %eq3A_263, %broadcast_in_dim3A_265, %select_n3A_250 : vector<128x1024xi1>, vector<128x1024xf32>
    %reduce_max3A_267 = arith.constant dense<0xFF800000> : vector<128xf32>
    %reduce_max3A_268 = vector.multi_reduction <maximumf>, %select_n3A_266, %reduce_max3A_267 [1] : vector<128x1024xf32> to vector<128xf32>
    %broadcast_in_dim3A_269 = vector.shape_cast %reduce_max3A_268 : vector<128xf32> to vector<128x1xf32>
    %eq3A_270 = vector.broadcast %broadcast_in_dim3A_269 : vector<128x1xf32> to vector<128x1024xf32>
    %eq3A_271 = arith.cmpf oeq, %select_n3A_266, %eq3A_270 : vector<128x1024xf32>
    %jit3A_272 = arith.constant 1024 : i32
    %broadcast_in_dim3A_273 = vector.broadcast %jit3A_272 : i32 to vector<128x1024xi32>
    %select_n3A_274 = arith.select %eq3A_271, %iota3A_204, %broadcast_in_dim3A_273 : vector<128x1024xi1>, vector<128x1024xi32>
    %reduce_min3A_275 = arith.constant dense<2147483647> : vector<128xi32>
    %reduce_min3A_276 = vector.multi_reduction <minsi>, %select_n3A_274, %reduce_min3A_275 [1] : vector<128x1024xi32> to vector<128xi32>
    %broadcast_in_dim3A_277 = vector.shape_cast %reduce_min3A_276 : vector<128xi32> to vector<128x1xi32>
    %eq3A_278 = vector.broadcast %broadcast_in_dim3A_277 : vector<128x1xi32> to vector<128x1024xi32>
    %eq3A_279 = arith.cmpi eq, %iota3A_204, %eq3A_278 : vector<128x1024xi32>
    %jit3A_280 = arith.constant -3.000000e+38 : f32
    %broadcast_in_dim3A_281 = vector.broadcast %jit3A_280 : f32 to vector<128x1024xf32>
    %select_n3A_282 = arith.select %eq3A_279, %broadcast_in_dim3A_281, %select_n3A_266 : vector<128x1024xi1>, vector<128x1024xf32>
    %reduce_max3A_283 = arith.constant dense<0xFF800000> : vector<128xf32>
    %reduce_max3A_284 = vector.multi_reduction <maximumf>, %select_n3A_282, %reduce_max3A_283 [1] : vector<128x1024xf32> to vector<128xf32>
    %broadcast_in_dim3A_285 = vector.shape_cast %reduce_max3A_284 : vector<128xf32> to vector<128x1xf32>
    %eq3A_286 = vector.broadcast %broadcast_in_dim3A_285 : vector<128x1xf32> to vector<128x1024xf32>
    %eq3A_287 = arith.cmpf oeq, %select_n3A_282, %eq3A_286 : vector<128x1024xf32>
    %jit3A_288 = arith.constant 1024 : i32
    %broadcast_in_dim3A_289 = vector.broadcast %jit3A_288 : i32 to vector<128x1024xi32>
    %select_n3A_290 = arith.select %eq3A_287, %iota3A_204, %broadcast_in_dim3A_289 : vector<128x1024xi1>, vector<128x1024xi32>
    %reduce_min3A_291 = arith.constant dense<2147483647> : vector<128xi32>
    %reduce_min3A_292 = vector.multi_reduction <minsi>, %select_n3A_290, %reduce_min3A_291 [1] : vector<128x1024xi32> to vector<128xi32>
    %broadcast_in_dim3A_293 = vector.shape_cast %reduce_min3A_292 : vector<128xi32> to vector<128x1xi32>
    %eq3A_294 = vector.broadcast %broadcast_in_dim3A_293 : vector<128x1xi32> to vector<128x1024xi32>
    %eq3A_295 = arith.cmpi eq, %iota3A_204, %eq3A_294 : vector<128x1024xi32>
    %jit3A_296 = arith.constant -3.000000e+38 : f32
    %broadcast_in_dim3A_297 = vector.broadcast %jit3A_296 : f32 to vector<128x1024xf32>
    %select_n3A_298 = arith.select %eq3A_295, %broadcast_in_dim3A_297, %select_n3A_282 : vector<128x1024xi1>, vector<128x1024xf32>
    %reduce_max3A_299 = arith.constant dense<0xFF800000> : vector<128xf32>
    %reduce_max3A_300 = vector.multi_reduction <maximumf>, %select_n3A_298, %reduce_max3A_299 [1] : vector<128x1024xf32> to vector<128xf32>
    %broadcast_in_dim3A_301 = vector.shape_cast %reduce_max3A_300 : vector<128xf32> to vector<128x1xf32>
    %eq3A_302 = vector.broadcast %broadcast_in_dim3A_301 : vector<128x1xf32> to vector<128x1024xf32>
    %eq3A_303 = arith.cmpf oeq, %select_n3A_298, %eq3A_302 : vector<128x1024xf32>
    %jit3A_304 = arith.constant 1024 : i32
    %broadcast_in_dim3A_305 = vector.broadcast %jit3A_304 : i32 to vector<128x1024xi32>
    %select_n3A_306 = arith.select %eq3A_303, %iota3A_204, %broadcast_in_dim3A_305 : vector<128x1024xi1>, vector<128x1024xi32>
    %reduce_min3A_307 = arith.constant dense<2147483647> : vector<128xi32>
    %reduce_min3A_308 = vector.multi_reduction <minsi>, %select_n3A_306, %reduce_min3A_307 [1] : vector<128x1024xi32> to vector<128xi32>
    %broadcast_in_dim3A_309 = vector.shape_cast %reduce_min3A_308 : vector<128xi32> to vector<128x1xi32>
    %eq3A_310 = vector.broadcast %broadcast_in_dim3A_309 : vector<128x1xi32> to vector<128x1024xi32>
    %eq3A_311 = arith.cmpi eq, %iota3A_204, %eq3A_310 : vector<128x1024xi32>
    %jit3A_312 = arith.constant -3.000000e+38 : f32
    %broadcast_in_dim3A_313 = vector.broadcast %jit3A_312 : f32 to vector<128x1024xf32>
    %select_n3A_314 = arith.select %eq3A_311, %broadcast_in_dim3A_313, %select_n3A_298 : vector<128x1024xi1>, vector<128x1024xf32>
    %reduce_max3A_315 = arith.constant dense<0xFF800000> : vector<128xf32>
    %reduce_max3A_316 = vector.multi_reduction <maximumf>, %select_n3A_314, %reduce_max3A_315 [1] : vector<128x1024xf32> to vector<128xf32>
    %broadcast_in_dim3A_317 = vector.shape_cast %reduce_max3A_316 : vector<128xf32> to vector<128x1xf32>
    %eq3A_318 = vector.broadcast %broadcast_in_dim3A_317 : vector<128x1xf32> to vector<128x1024xf32>
    %eq3A_319 = arith.cmpf oeq, %select_n3A_314, %eq3A_318 : vector<128x1024xf32>
    %jit3A_320 = arith.constant 1024 : i32
    %broadcast_in_dim3A_321 = vector.broadcast %jit3A_320 : i32 to vector<128x1024xi32>
    %select_n3A_322 = arith.select %eq3A_319, %iota3A_204, %broadcast_in_dim3A_321 : vector<128x1024xi1>, vector<128x1024xi32>
    %reduce_min3A_323 = arith.constant dense<2147483647> : vector<128xi32>
    %reduce_min3A_324 = vector.multi_reduction <minsi>, %select_n3A_322, %reduce_min3A_323 [1] : vector<128x1024xi32> to vector<128xi32>
    %broadcast_in_dim3A_325 = vector.shape_cast %reduce_min3A_324 : vector<128xi32> to vector<128x1xi32>
    %concatenate3A_326 = tpu.concatenate %broadcast_in_dim3A_206, %broadcast_in_dim3A_221, %broadcast_in_dim3A_237, %broadcast_in_dim3A_253, %broadcast_in_dim3A_269, %broadcast_in_dim3A_285, %broadcast_in_dim3A_301, %broadcast_in_dim3A_317 in 1 : vector<128x1xf32>, vector<128x1xf32>, vector<128x1xf32>, vector<128x1xf32>, vector<128x1xf32>, vector<128x1xf32>, vector<128x1xf32>, vector<128x1xf32> -> vector<128x8xf32>
    %logistic3A = arith.negf %concatenate3A_326 : vector<128x8xf32>
    %logistic3A_327 = math.exp %logistic3A : vector<128x8xf32>
    %logistic3A_328 = arith.constant 1.000000e+00 : f32
    %logistic3A_329 = vector.broadcast %logistic3A_328 : f32 to vector<128x8xf32>
    %logistic3A_330 = arith.addf %logistic3A_329, %logistic3A_327 : vector<128x8xf32>
    %logistic3A_331 = arith.divf %logistic3A_329, %logistic3A_330 : vector<128x8xf32>
    %swap3A_332 = arith.constant 0 : index
    %swap3A_333 = arith.constant 0 : index
    %swap3A_334 = vector.load %arg11[%swap3A_332, %swap3A_333] : memref<128x8xf32, #tpu.memory_space<vmem>>, vector<128x8xf32>
    tpu.vector_store %arg11[%swap3A_332, %swap3A_333], %logistic3A_331 {strides = array<i32>} : memref<128x8xf32, #tpu.memory_space<vmem>>, vector<128x8xf32>,
    %concatenate3A_335 = tpu.concatenate %broadcast_in_dim3A_213, %broadcast_in_dim3A_229, %broadcast_in_dim3A_245, %broadcast_in_dim3A_261, %broadcast_in_dim3A_277, %broadcast_in_dim3A_293, %broadcast_in_dim3A_309, %broadcast_in_dim3A_325 in 1 : vector<128x1xi32>, vector<128x1xi32>, vector<128x1xi32>, vector<128x1xi32>, vector<128x1xi32>, vector<128x1xi32>, vector<128x1xi32>, vector<128x1xi32> -> vector<128x8xi32>
    %swap3A_336 = arith.constant 0 : index
    %swap3A_337 = arith.constant 0 : index
    %swap3A_338 = vector.load %arg12[%swap3A_336, %swap3A_337] : memref<128x8xi32, #tpu.memory_space<vmem>>, vector<128x8xi32>
    tpu.vector_store %arg12[%swap3A_336, %swap3A_337], %concatenate3A_335 {strides = array<i32>} : memref<128x8xi32, #tpu.memory_space<vmem>>, vector<128x8xi32>,
    return
  }
  func.func @transform_0(%arg0: i32) -> (i32, i32) {
    %c0_i32 = arith.constant 0 : i32
    %c0_i32_0 = arith.constant 0 : i32
    return %arg0, %c0_i32 : i32, i32
  }
  func.func @transform_1(%arg0: i32) -> (i32, i32) {
    %c0_i32 = arith.constant 0 : i32
    %c0_i32_0 = arith.constant 0 : i32
    %c0_i32_1 = arith.constant 0 : i32
    return %c0_i32, %c0_i32_0 : i32, i32
  }
  func.func @transform_2(%arg0: i32) -> (i32, i32) {
    %c0_i32 = arith.constant 0 : i32
    %c0_i32_0 = arith.constant 0 : i32
    %c0_i32_1 = arith.constant 0 : i32
    return %c0_i32, %c0_i32_0 : i32, i32
  }
  func.func @transform_3(%arg0: i32) -> (i32, i32) {
    %c0_i32 = arith.constant 0 : i32
    %c0_i32_0 = arith.constant 0 : i32
    %c0_i32_1 = arith.constant 0 : i32
    return %c0_i32, %c0_i32_0 : i32, i32
  }
  func.func @transform_4(%arg0: i32) -> (i32, i32) {
    %c0_i32 = arith.constant 0 : i32
    %c0_i32_0 = arith.constant 0 : i32
    %c0_i32_1 = arith.constant 0 : i32
    return %c0_i32, %c0_i32_0 : i32, i32
  }
  func.func @transform_5(%arg0: i32) -> (i32, i32) {
    %c0_i32 = arith.constant 0 : i32
    %c0_i32_0 = arith.constant 0 : i32
    %c0_i32_1 = arith.constant 0 : i32
    return %c0_i32, %c0_i32_0 : i32, i32
  }
  func.func @transform_6(%arg0: i32) -> (i32, i32) {
    %c0_i32 = arith.constant 0 : i32
    %c0_i32_0 = arith.constant 0 : i32
    %c0_i32_1 = arith.constant 0 : i32
    return %c0_i32, %c0_i32_0 : i32, i32
  }
  func.func @transform_7(%arg0: i32) -> (i32, i32) {
    %c0_i32 = arith.constant 0 : i32
    %c0_i32_0 = arith.constant 0 : i32
    %c0_i32_1 = arith.constant 0 : i32
    return %c0_i32, %c0_i32_0 : i32, i32
  }
  func.func @transform_8(%arg0: i32) -> (i32, i32) {
    %c0_i32 = arith.constant 0 : i32
    %c0_i32_0 = arith.constant 0 : i32
    %c0_i32_1 = arith.constant 0 : i32
    return %c0_i32, %c0_i32_0 : i32, i32
  }
  func.func @transform_9(%arg0: i32) -> (i32, i32) {
    %c0_i32 = arith.constant 0 : i32
    %c0_i32_0 = arith.constant 0 : i32
    %c0_i32_1 = arith.constant 0 : i32
    return %c0_i32, %c0_i32_0 : i32, i32
  }
  func.func @transform_10(%arg0: i32) -> (i32, i32) {
    %c0_i32 = arith.constant 0 : i32
    %c0_i32_0 = arith.constant 0 : i32
    return %arg0, %c0_i32 : i32, i32
  }
  func.func @transform_11(%arg0: i32) -> (i32, i32) {
    %c0_i32 = arith.constant 0 : i32
    %c0_i32_0 = arith.constant 0 : i32
    return %arg0, %c0_i32 : i32, i32
  }
  func.func @transform_12(%arg0: i32) -> (i32, i32) {
    %c0_i32 = arith.constant 0 : i32
    %c0_i32_0 = arith.constant 0 : i32
    %c0_i32_1 = arith.constant 0 : i32
    return %c0_i32, %c0_i32_0 : i32, i32
  }
  func.func @transform_13(%arg0: i32) -> (i32, i32) {
    %c0_i32 = arith.constant 0 : i32
    %c0_i32_0 = arith.constant 0 : i32
    %c0_i32_1 = arith.constant 0 : i32
    return %c0_i32, %c0_i32_0 : i32, i32
  }
}

module attributes {stable_mosaic.version = 14 : i64} {
  func.func @_edge_body(%arg0: memref<1024x64xf32, #tpu.memory_space<vmem>>, %arg1: memref<8192x64xf32, #tpu.memory_space<vmem>>, %arg2: memref<64x16xf32, #tpu.memory_space<vmem>>, %arg3: memref<1x16xf32, #tpu.memory_space<vmem>>, %arg4: memref<8192x1xf32, #tpu.memory_space<vmem>>, %arg5: memref<8192x17xf32, #tpu.memory_space<vmem>>) attributes {dimension_semantics = [], scalar_prefetch = 0 : i64, scratch_operands = 0 : i64, tpu.core_type = #tpu.core_type<tc>} {
    %get3A = arith.constant 0 : index
    %get3A_0 = arith.constant 0 : index
    %get3A_1 = vector.load %arg0[%get3A, %get3A_0] : memref<1024x64xf32, #tpu.memory_space<vmem>>, vector<1024x64xf32>
    %broadcast_in_dim3A = vector.shape_cast %get3A_1 : vector<1024x64xf32> to vector<1024x1x64xf32>
    %broadcast_in_dim3A_2 = vector.shape_cast %broadcast_in_dim3A : vector<1024x1x64xf32> to vector<1024x1x64xf32>
    %broadcast_in_dim3A_3 = vector.broadcast %broadcast_in_dim3A_2 : vector<1024x1x64xf32> to vector<1024x8x64xf32>
    %reshape3A = vector.shape_cast %broadcast_in_dim3A_3 : vector<1024x8x64xf32> to vector<8192x64xf32>
    %get3A_4 = arith.constant 0 : index
    %get3A_5 = arith.constant 0 : index
    %get3A_6 = vector.load %arg1[%get3A_4, %get3A_5] : memref<8192x64xf32, #tpu.memory_space<vmem>>, vector<8192x64xf32>
    %add3A = arith.addf %reshape3A, %get3A_6 : vector<8192x64xf32>
    %max3A = arith.constant 0.000000e+00 : f32
    %max3A_7 = vector.broadcast %max3A : f32 to vector<8192x64xf32>
    %max3A_8 = arith.maximumf %add3A, %max3A_7 : vector<8192x64xf32>
    %get3A_9 = arith.constant 0 : index
    %get3A_10 = arith.constant 0 : index
    %get3A_11 = vector.load %arg2[%get3A_9, %get3A_10] : memref<64x16xf32, #tpu.memory_space<vmem>>, vector<64x16xf32>
    %dot_general3A = arith.constant dense<0.000000e+00> : vector<8192x16xf32>
    %dot_general3A_12 = tpu.matmul %max3A_8, %get3A_11, %dot_general3A {dimension_numbers = #tpu.dot_dimension_numbers<[1], [0], [0], [1], [0, 0, 1, 1], [], []>, transpose_lhs_hint = false} : vector<8192x64xf32>, vector<64x16xf32>, vector<8192x16xf32> -> vector<8192x16xf32>
    %get3A_13 = arith.constant 0 : index
    %get3A_14 = arith.constant 0 : index
    %get3A_15 = vector.load %arg3[%get3A_13, %get3A_14] : memref<1x16xf32, #tpu.memory_space<vmem>>, vector<1x16xf32>
    %add3A_16 = vector.broadcast %get3A_15 : vector<1x16xf32> to vector<8192x16xf32>
    %add3A_17 = arith.addf %dot_general3A_12, %add3A_16 : vector<8192x16xf32>
    %get3A_18 = arith.constant 0 : index
    %get3A_19 = arith.constant 0 : index
    %get3A_20 = vector.load %arg4[%get3A_18, %get3A_19] : memref<8192x1xf32, #tpu.memory_space<vmem>>, vector<8192x1xf32>
    %swap3A = arith.constant 0 : index
    %swap3A_21 = arith.constant 0 : index
    %swap3A_22 = vector.load %arg5[%swap3A, %swap3A_21] : memref<8192x17xf32, #tpu.memory_space<vmem>>, vector<8192x1xf32>
    tpu.vector_store %arg5[%swap3A, %swap3A_21], %get3A_20 {strides = array<i32>} : memref<8192x17xf32, #tpu.memory_space<vmem>>, vector<8192x1xf32>,
    %ge3A = arith.constant 5.000000e-01 : f32
    %ge3A_23 = vector.broadcast %ge3A : f32 to vector<8192x1xf32>
    %ge3A_24 = arith.cmpf oge, %get3A_20, %ge3A_23 : vector<8192x1xf32>
    %jit3A = arith.constant 0.000000e+00 : f32
    %broadcast_in_dim3A_25 = vector.shape_cast %ge3A_24 : vector<8192x1xi1> to vector<8192x1xi1>
    %broadcast_in_dim3A_26 = vector.broadcast %broadcast_in_dim3A_25 : vector<8192x1xi1> to vector<8192x16xi1>
    %broadcast_in_dim3A_27 = vector.broadcast %jit3A : f32 to vector<8192x16xf32>
    %select_n3A = arith.select %broadcast_in_dim3A_26, %add3A_17, %broadcast_in_dim3A_27 : vector<8192x16xi1>, vector<8192x16xf32>
    %swap3A_28 = arith.constant 0 : index
    %swap3A_29 = arith.constant 1 : index
    %swap3A_30 = vector.load %arg5[%swap3A_28, %swap3A_29] : memref<8192x17xf32, #tpu.memory_space<vmem>>, vector<8192x16xf32>
    tpu.vector_store %arg5[%swap3A_28, %swap3A_29], %select_n3A {strides = array<i32>} : memref<8192x17xf32, #tpu.memory_space<vmem>>, vector<8192x16xf32>,
    return
  }
}

</mosaic_0001>

<sc_bundles>
// kernel: kernel.5.cloned.1.call-start
scs
__scs_entry_jumppad:
0x0: {  	(pc) =	sbr.rel $0x88, $3  }
0x1: {  	(tag) =	ssettag $0x0;
	lr =	simm.s32 $0x1  }
0x2: {  	[smem:$0x3F96] =	sst lr;
	_ =	strace $0xD0000000  }
0x3: {  	_ = 	snop  }
0x4: {  	_ = 	snop  }
0x5: {  	_ = 	snop  }
0x6: {  	_ = 	snop  }
0x7: {  	_ = 	snop  }
__scs_overlays_trampoline_lowered:
0x8: {  	[smem:$0x3FA5] =	sst s0  }
0x9: {  	[smem:$0x3FA6] =	sst s1  }
0xa: {  	[smem:$0x3FA7] =	sst s2  }
0xb: {  	[smem:$0x3FA8] =	sst s3  }
0xc: {  	[smem:$0x3FA9] =	sst s4  }
0xd: {  	[smem:$0x3FAA] =	sst s5  }
0xe: {  	[smem:$0x3FAB] =	sst s6  }
0xf: {  	[smem:$0x3FAC] =	sst s7  }
0x10: {  	[smem:$0x3FAD] =	sst s8  }
0x11: {  	[smem:$0x3FAE] =	sst s9;
	s0 =	simm.s32 @!p0 $0x0  }
0x12: {  	s1 =	sld [smem:$0x3F94];
	s0 =	simm.s32 @p0 $0x1  }
0x13: {  	[smem:$0x3FAF] =	sst s0;
	s0 =	simm.s32 @!p1 $0x0  }
0x14: {  	s2 =	sld [smem:$0x3F93];
	s0 =	simm.s32 @p1 $0x1  }
0x15: {  	[smem:$0x3FB0] =	sst s0;
	s0 =	simm.s32 @!p2 $0x0  }
0x16: {  	s3 =	sld [smem:$0x3FDB];
	s0 =	simm.s32 @p2 $0x1  }
0x17: {  	s4 =	simm.s32 $0x1BF5;
	[smem:$0x3FB2] =	sst s0  }
0x18: {  	s0 =	sld [smem:$0x3F95];
	_ =	swait.ge [sflag:s4], $0x0  }
0x19: {  	s7 =	sld [smem:$0x3F96]  }
0x1a: {  	s8 =	sadd.s32 $0xFFFFE003, lr  }
0x1b: {  	s9 =	sadd.s32 $0xFFFFFEF7, lr;
	s5 =	simm.s32 $0xFFFFFFFF;
	p2 =	slt.u32 s8, $0xFFFFF086  }
0x1c: {  	p1 =	slt.u32 s9, $0xF7A;
	s5 =	simm.s32 @!p2 $0x0  }
0x1d: {  	s5 =	simm.s32 @p1 $0x1;
	p0 =	seq.s32 s7, s2  }
0x1e: {  	s7 =	smul.u32 @!p0 $0xF7A, s2;
	p2 =	seq.s32 @!p0 s5, $0x0  }
0x1f: {  	s9 =	smul.u32 $0xF7A, s1;
	s8 =	simm.s32 @!p0 $0x1BF5;
	p2 =	por !p2, p0  }
0x20: {  	[sflag:s8] =	ssyncset.s32 @!p0 $0xFFFFF086;
	s6 =	sadd.s32 @!p0 s3, s7;
	s7 =	simm.s32 @!p0 $0x108  }
0x21: {  	s3 =	sadd.s32 s3, s9;
	s6 =	sadd.s32 @!p0 $0x88, s6;
	s7 =	simm.s32 @p2 $0x1082  }
0x22: {  	[simem:s7], [sflag:s8] =	dma.local @!p0 [hbm:s6], $0xF7A  }
0x23: {  	s9 =	sor.u32 $0xD0000000, s2;
	s6 =	simm.s32 $0x108;
	_ =	swait.ge @!p0 [sflag:s8], $0x0  }
0x24: {  	s3 =	sadd.s32 $0x88, s3;
	s6 =	simm.s32 @!p1 $0x1082;
	[sflag:s4] =	ssyncset.s32 $0xFFFFF086  }
0x25: {  	[simem:s6], [sflag:s4] =	dma.local [hbm:s3], $0xF7A  }
0x26: {  	[smem:$0x3F96] =	sst s1;
	(tag) =	ssettag s2;
	_ =	strace s9  }
0x27: {  	s1 =	sld [smem:$0x3FA6]  }
0x28: {  	s2 =	sld [smem:$0x3FA7]  }
0x29: {  	s4 =	sld [smem:$0x3FA9]  }
0x2a: {  	p0 =	seq.s32 s5, $0x0;
	s5 =	sld [smem:$0x3FAA]  }
0x2b: {  	s6 =	sld [smem:$0x3FAB]  }
0x2c: {  	s7 =	sld [smem:$0x3FAC]  }
0x2d: {  	s3 =	simm.s32 $0x108;
	s8 =	sld [smem:$0x3FAD]  }
0x2e: {  	s3 =	simm.s32 @!p0 $0x1082;
	s9 =	sld [smem:$0x3FAE]  }
0x2f: {  	lr =	sadd.s32 s0, s3;
	s0 =	sld [smem:$0x3FA5]  }
0x30: {  	s3 =	sld [smem:$0x3FA8]  }
0x31: {  	[smem:$0x3FB1] =	sst s10  }
0x32: {  	s10 =	sld [smem:$0x3FAF];
	_ =	sdelay $0x3  }
0x33: {  	p0 =	seq.s32 s10, $0x1;
	s10 =	sld [smem:$0x3FB1];
	_ =	sdelay $0x3  }
0x34: {  	[smem:$0x3FB1] =	sst s10  }
0x35: {  	s10 =	sld [smem:$0x3FB0];
	_ =	sdelay $0x3  }
0x36: {  	p1 =	seq.s32 s10, $0x1;
	s10 =	sld [smem:$0x3FB1];
	_ =	sdelay $0x3  }
0x37: {  	[smem:$0x3FB1] =	sst s10  }
0x38: {  	s10 =	sld [smem:$0x3FB2]  }
0x39: {  	_ = 	snop;
	(pc) =	sbr.ind lr, $3  }
0x3a: {  	_ = 	snop  }
0x3b: {  	_ = 	snop  }
0x3c: {  	p2 =	seq.s32 s10, $0x1;
	s10 =	sld [smem:$0x3FB1]  }
0x3d: {  	_ =	shalt  }
0x3e: {  	_ =	shalt  }
0x3f: {  	_ =	shalt  }
0x40: {  	_ =	shalt  }
0x41: {  	_ =	shalt  }
0x42: {  	_ =	shalt  }
0x43: {  	_ =	shalt  }
0x44: {  	_ =	shalt  }
0x45: {  	_ =	shalt  }
0x46: {  	_ =	shalt  }
0x47: {  	_ =	shalt  }
0x48: {  	_ =	shalt  }
0x49: {  	_ =	shalt  }
0x4a: {  	_ =	shalt  }
0x4b: {  	_ =	shalt  }
0x4c: {  	_ =	shalt  }
0x4d: {  	_ =	shalt  }
0x4e: {  	_ =	shalt  }
0x4f: {  	_ =	shalt  }
0x50: {  	_ =	shalt  }
0x51: {  	_ =	shalt  }
0x52: {  	_ =	shalt  }
0x53: {  	_ =	shalt  }
0x54: {  	_ =	shalt  }
0x55: {  	_ =	shalt  }
0x56: {  	_ =	shalt  }
0x57: {  	_ =	shalt  }
0x58: {  	_ =	shalt  }
0x59: {  	_ =	shalt  }
0x5a: {  	_ =	shalt  }
0x5b: {  	_ =	shalt  }
0x5c: {  	_ =	shalt  }
0x5d: {  	_ =	shalt  }
0x5e: {  	_ =	shalt  }
0x5f: {  	_ =	shalt  }
0x60: {  	_ =	shalt  }
0x61: {  	_ =	shalt  }
0x62: {  	_ =	shalt  }
0x63: {  	_ =	shalt  }
0x64: {  	_ =	shalt  }
0x65: {  	_ =	shalt  }
0x66: {  	_ =	shalt  }
0x67: {  	_ =	shalt  }
0x68: {  	_ =	shalt  }
0x69: {  	_ =	shalt  }
0x6a: {  	_ =	shalt  }
0x6b: {  	_ =	shalt  }
0x6c: {  	_ =	shalt  }
0x6d: {  	_ =	shalt  }
0x6e: {  	_ =	shalt  }
0x6f: {  	_ =	shalt  }
0x70: {  	_ =	shalt  }
0x71: {  	_ =	shalt  }
0x72: {  	_ =	shalt  }
0x73: {  	_ =	shalt  }
0x74: {  	_ =	shalt  }
0x75: {  	_ =	shalt  }
0x76: {  	_ =	shalt  }
0x77: {  	_ =	shalt  }
0x78: {  	_ =	shalt  }
0x79: {  	_ =	shalt  }
0x7a: {  	_ =	shalt  }
0x7b: {  	_ =	shalt  }
0x7c: {  	_ =	shalt  }
0x7d: {  	_ =	shalt  }
0x7e: {  	_ =	shalt  }
0x7f: {  	_ =	shalt  }
0x80: {  	_ =	shalt  }
0x81: {  	_ =	shalt  }
0x82: {  	_ =	shalt  }
0x83: {  	_ =	shalt  }
0x84: {  	_ =	shalt  }
0x85: {  	_ =	shalt  }
0x86: {  	_ =	shalt  }
0x87: {  	_ =	shalt  }
.Lfunc_end0:
.L_simem_size_0:
called_computation_lowered:
.L_overlay_start_0:
0x88: {  	s2 =	sld [smem:$0x3FD9]  }
0x89: {  	s3 =	sld [smem:$0x3FFE];
	_ =	sdelay $0x1  }
0x8a: {  	s1 =	srdreg.scid  }
0x8b: {  	s0 =	sand.u32 $0x1, s1  }
0x8c: {  	s17 =	sshll.u32 s0, $0xA;
	s2 =	sadd.s32 s3, s2  }
0x8d: {  	s2 =	sadd.s32 s2, s17  }
0x8e: {  	[smem:$0x3FBD] =	sst s2  }
0x8f: {  	_ = 	snop  }
0x90: {  	s2 =	sld [smem:$0x3FD0];
	(tm) =	ssettm $0x1  }
0x91: {  	s18 =	sld [smem:$0x3FFB];
	_ =	sdelay $0x3  }
0x92: {  	_ =	strace s18  }
0x93: {  	s3 =	sld [smem:$0x3FFC];
	_ =	sdelay $0x3  }
0x94: {  	_ =	strace s3  }
0x95: {  	s3 =	sld [smem:$0x3FFD];
	_ =	sdelay $0x3  }
0x96: {  	_ =	strace s3  }
0x97: {  	_ =	strace $0x8FFFFFFF  }
0x98: {  	s19 =	sld [smem:$0x3FDB];
	_ =	sdelay $0x1  }
0x99: {  	s4 =	simm.s32 $_scs_section_size  }
0x9a: {  	s5 =	simm.s32 $_size__tile_overlayer_lowered;
	s6 =	simm.s32 $_tile_overlayer_lowered  }
0x9b: {  	s22 =	simm.s32 $0x1BFF;
	s21 =	sshll.u32 s6, $0x1;
	s3 =	sadd.s32 s4, s19  }
0x9c: {  	s7 =	simm.s32 $0x0;
	s20 =	sshll.u32 s5, $0x1;
	s5 =	sadd.s32 s21, s3  }
0x9d: {  	[timem:s7], [sflag:s22] =	dma.local [hbm:s5], s20  }
0x9e: {  	_ =	swait.ge [sflag:s22], s20  }
0x9f: {  	s4 =	ssub.s32 $0x0, s20;
	[sflag:s22] =	ssyncset.done $0x0  }
0xa0: {  	[sflag:s22] =	ssyncadd.s32 s4;
	_ =	sdelay $0x1  }
0xa1: {  	s23 =	simm.s32 $0x1B8B  }
0xa2: {  	_ =	swait.ge [sflag:s23], $0x1  }
0xa3: {  	[sflag:s23] =	ssyncset.done $0x0  }
0xa4: {  	s25 =	simm.s32 $0x1B8E;
	s24 =	sld [smem:$0x3FFE];
	[sflag:s23] =	ssyncadd.s32 $0xFFFFFFFF  }
0xa5: {  	s26 =	simm.s32 $execute0_lowered;
	[smem:$0x3FD2] =	sst s25  }
0xa6: {  	s5 =	sshll.u32 s26, $0x1;
	_ =	strace $0x80000046;
	[dreg:$0x1] =	wrdreg $0xFFFFFFFF  }
0xa7: {  	s28 =	simm.s32 $_size_execute0_lowered;
	s3 =	sadd.s32 s3, s5;
	[dreg:$0x0] =	wrdreg $0x0  }
0xa8: {  	s5 =	sshll.u32 s28, $0x1;
	[dreg:$0x2] =	wrdreg s3  }
0xa9: {  	[dreg:$0x3] =	wrdreg s5  }
0xaa: {  	[dreg:$0x4] =	wrdreg $0xC0  }
0xab: {  	_ =	task [dreg:s7], $0x5FFFF  }
0xac: {  	[dreg:$0x1] =	wrdreg $0xFFFFFFFF  }
0xad: {  	[dreg:$0x0] =	wrdreg $0x60  }
0xae: {  	[dreg:$0x2] =	wrdreg s2  }
0xaf: {  	[dreg:$0x3] =	wrdreg s24  }
0xb0: {  	[dreg:$0x4] =	wrdreg $0x9  }
0xb1: {  	_ =	task.clear_ibuf [dreg:s7], $0x5FFFF;
	_ =	strace $0x90000046  }
0xb2: {  	s29 =	simm.s32 $0x9;
	_ =	strace $0x80000048  }
0xb3: {  	_ =	swait.ge [sflag:s29], $0x1  }
0xb4: {  	[sflag:s29] =	ssyncadd.s32 $0xFFFFFFFF  }
0xb5: {  	_ =	strace $0x90000048  }
0xb6: {  	_ =	sfence  }
0xb7: {  	s30 =	sld [smem:$0x0];
	_ =	sdelay $0x2  }
0xb8: {  	s31 =	sshll.u32 s1, $0xD;
	s1 =	sshrl.u32 s1, $0x2  }
0xb9: {  	s3 =	sand.u32 $0x4000, s31;
	s1 =	sadd.s32 s1, s30  }
0xba: {  	s0 =	sor.u32 s3, s0;
	s1 =	sshll.u32 s1, $0x11  }
0xbb: {  	s0 =	sor.u32 s1, s0  }
0xbc: {  	s0 =	sadd.s32 $0x8F2B, s0  }
0xbd: {  	[sflag:s0] =	ssyncadd.remote.s32 $0x1  }
0xbe: {  	_ =	sfence.sel $0xFFFF  }
0xbf: {  	[dreg:$0x0] =	wrdreg $0xFFFFFFFF;
	(pc) =	sbr.abs _section_cstart, $3  }
0xc0: {  	[dreg:$0x1] =	wrdreg $0xFFFFFFFF  }
0xc1: {  	_ =	task.clear_ibuf [dreg:s7], $0x2FFFF;
	_ =	strace $0x9FFFFFFF  }
0xc2: {  	(tm) =	ssettm $0x7FFFFFFF  }
0xc3: {  	_ =	shalt  }
tec
execute0_lowered:
.L_overlay_start_1:
0x0: {  	(tag) =	ssettag $0x1  }
0x1: {  	s1 =	srdreg.scid  }
0x2: {  	s0 =	stileid.u32;
	s6 =	sand.u32 $0x1, s1  }
0x3: {  	s2 =	rddreg [dreg:$0x0];
	s30 =	sshll.u32 s0, $0x9;
	s3 =	sshll.u32 s6, $0x8  }
0x4: {  	s8 =	rddreg [dreg:$0x1];
	s7 =	simm.s32 $0x1;
	s9 =	sor.u32 s3, s30  }
0x5: {  	s1 =	rddreg [dreg:$0x2];
	s3 =	simm.s32 $0x0;
	s4 =	sshrl.u32 s9, $0x3  }
0x6: {  	s10 =	ssub.s32 $0x2, s6;
	[smem:$0x7FF] =	sst s3;
	s4 =	sadd.s32 s4, s8  }
0x7: {  	_ =	strace $0x80000047;
	s5 =	sadd.s32 $0x1200, s4;
	s4 =	simm.s32 $0x2  }
0x8: {  	[tilespmem:s3], [sflag:$0x2] =	stream.linear.gather [hbm4b:s5+s3], $0x100, $0x38;
	[tilespmem:$0x4100] =	vst v63  }
0x9: {  	s6 =	simm.s32 $0x100;
	s11 =	sshrl.u32 s10, $0x1;
	_ =	swait.ge [sflag:s4], $0x100  }
0xa: {  	s9 =	sshll.u32 s9, $0x3;
	s31 =	ssub.s32 s10, s11;
	[sflag:s4] =	ssyncset.done $0x0  }
0xb: {  	s8 =	sadd.s32 s9, s8;
	s9 =	smax.u32 s31, $0x1;
	[sflag:s4] =	ssyncadd.s32 $0xFFFFFF00  }
0xc: {  	[tilespmem:s6], [sflag:$0x1] =	stream.indirect.gather [hbm4b:s2+s6], $0x40, s3, s6, $0xb8;
	[tilespmem:$0x4100] =	vst v63  }
0xd: {  	p0 =	sne.s32 s9, $0x1;
	_ =	swait.ge [sflag:s7], $0x4000  }
.Ltmp0:
0xe: {  	[sflag:s7] =	ssyncset.done $0x0;
	(pc) =	sbr.rel @!p0 .LBB2_2-.Ltmp0, $4  }
0xf: {  	s8 =	sadd.s32 $0x1600, s8;
	[sflag:s7] =	ssyncadd.s32 $0xFFFFC000  }
0x10: {  	[hbm4b:s8+s3] =	stream.linear.scatter [tilespmem:s6], [sflag:$0x2], $0x4000, $0x38;
	[tilespmem:$0x4100] =	vst v63  }
0x11: {  	_ =	swait.ge [sflag:s4], $0x4000  }
0x12: {  	s9 =	sadd.s32 $0xFFFFFFFF, s9;
	[sflag:s4] =	ssyncset.done $0x0  }
.LBB2_1:
0x13: {  	p0 =	sne.s32 s9, $0x1;
	s9 =	sadd.s32 $0xFFFFFFFF, s9;
	[sflag:s4] =	ssyncadd.s32 $0xFFFFC000  }
0x14: {  	[tilespmem:s3], [sflag:$0x2] =	stream.linear.gather [hbm4b:s5+s3], $0x100, $0x38;
	[tilespmem:$0x4100] =	vst v63  }
0x15: {  	_ =	swait.ge [sflag:s4], $0x100  }
0x16: {  	[sflag:s4] =	ssyncset.done $0x0  }
0x17: {  	[sflag:s4] =	ssyncadd.s32 $0xFFFFFF00  }
0x18: {  	[tilespmem:s6], [sflag:$0x1] =	stream.indirect.gather [hbm4b:s2+s6], $0x40, s3, s6, $0xb8;
	[tilespmem:$0x4100] =	vst v63  }
0x19: {  	_ =	swait.ge [sflag:s7], $0x4000  }
.Ltmp1:
0x1a: {  	[sflag:s7] =	ssyncset.done $0x0;
	(pc) =	sbr.rel @p0 .LBB2_1-.Ltmp1, $4  }
0x1b: {  	[sflag:s7] =	ssyncadd.s32 $0xFFFFC000  }
0x1c: {  	[hbm4b:s8+s3] =	stream.linear.scatter [tilespmem:s6], [sflag:$0x2], $0x4000, $0x38;
	[tilespmem:$0x4100] =	vst v63  }
0x1d: {  	_ =	swait.ge [sflag:s4], $0x4000  }
0x1e: {  	[sflag:s4] =	ssyncset.done $0x0  }
.LBB2_2:
0x1f: {  	[sflag:s4] =	ssyncadd.s32 $0xFFFFC000  }
0x20: {  	_ =	sfence.sel $0x180000  }
0x21: {  	[bflag:$0x0] =	sbarrier.arrive $0xFFFF  }
0x22: {  	p0 =	sne.s32 s0, $0x0;
	_ =	strace $0x90000047  }
0x23: {  	s0 =	sadd.s32 @!p0 $0x100000, s1;
	[bflag:$0x2] =	sbarrier.arrive $0xFFFF  }
0x24: {  	[sflag:s0] =	ssyncadd.tile.s32 @!p0 $0x1;
	_ =	shalt  }
.Lfunc_end2:
_tile_overlayer_lowered:
.L_overlay_start_2:
0x25: {  	(tag) =	ssettag $0x2  }
0x26: {  	s0 =	rddreg [dreg:$0x0];
	s2 =	stileid.u32  }
0x27: {  	s1 =	rddreg [dreg:$0x1];
	p0 =	sne.s32 s2, $0x0  }
0x28: {  	s3 =	rddreg [dreg:$0x2];
	[bflag:$0x3] =	sbarrier.arrive $0xFFFF;
	s2 =	simm.s32 @!p0 $0x1C02  }
0x29: {  	[timem:s3], [sflag:s2] =	dma.local @!p0 [hbm:s0], s1  }
0x2a: {  	s0 =	simm.s32 @!p0 $0x2  }
0x2b: {  	_ =	swait.ge @!p0 [sflag:s0], s1  }
0x2c: {  	s1 =	ssub.s32 @!p0 $0x0, s1;
	[sflag:s0] =	ssyncset.done @!p0 $0x0  }
0x2d: {  	[sflag:s0] =	ssyncadd.s32 @!p0 s1  }
0x2e: {  	[bflag:$0x3] =	sbarrier.arrive $0xFFFF  }
0x2f: {  	_ =	shalt  }

</sc_bundles>
